<compile_context>
chip_gen: v7x
topology: tpu7x:2x2x1
jax: 0.10.2.dev20260603
libtpu: 0.0.44.dev20260713+nightly
codegen_flags: <defaults>
</compile_context>

<pallas_src>
import functools

import jax
import jax.numpy as jnp
from jax import lax
from jax.experimental import pallas as pl
from jax.experimental.pallas import tpu as pltpu
from jax.experimental.pallas import tpu_sc as plsc

_B = 32
_CHUNK = 128
_CANVAS = 8192
_D = 256
_ALIGN = 8
_WIN = _CHUNK + _ALIGN


def _sc_build_merged(value, index, cache):
    mesh = plsc.VectorSubcoreMesh(core_axis_name="c", subcore_axis_name="s")

    @functools.partial(
        pl.kernel,
        mesh=mesh,
        out_type=jax.ShapeDtypeStruct((_B, _WIN, _D), jnp.float32),
        cost_estimate=pl.CostEstimate(
            flops=4_000_000, bytes_accessed=14_000_000, transcendentals=0),
        scratch_types=[
            pltpu.VMEM((_WIN, _D), jnp.float32),
            pltpu.VMEM((_CHUNK, _D), jnp.float32),
            pltpu.VMEM((16,), jnp.int32),
            pltpu.SemaphoreType.DMA,
        ],
    )
    def merge(value_hbm, index_hbm, cache_hbm, merged_hbm,
              win, val, idx_v, sem):
        wid = lax.axis_index("s") * 2 + lax.axis_index("c")
        b = wid

        pltpu.sync_copy(index_hbm, idx_v.at[pl.ds(0, 1)])
        idx = idx_v[...][0]
        base = pl.multiple_of((idx // _ALIGN) * _ALIGN, _ALIGN)
        off = idx - base

        pltpu.async_copy(cache_hbm.at[b, pl.ds(base, _WIN), :], win, sem)
        pltpu.async_copy(value_hbm.at[b], val, sem)
        pltpu.make_async_copy(
            cache_hbm.at[b, pl.ds(base, _WIN), :], win, sem).wait()
        pltpu.make_async_copy(value_hbm.at[b], val, sem).wait()

        def splice(r, carry):
            for c in range(_D // 16):
                win[off + r, pl.ds(c * 16, 16)] = val[r, pl.ds(c * 16, 16)]
            return carry

        lax.fori_loop(0, _CHUNK, splice, 0)
        pltpu.sync_copy(win, merged_hbm.at[b])

    return merge(value, index, cache)


def _copy_kernel(in_ref, out_ref):
    out_ref[...] = in_ref[...]


def _tc_bulk_copy(cache):
    return pl.pallas_call(
        _copy_kernel,
        grid=(_B,),
        in_specs=[pl.BlockSpec((1, _CANVAS, _D), lambda b: (b, 0, 0))],
        out_specs=pl.BlockSpec((1, _CANVAS, _D), lambda b: (b, 0, 0)),
        out_shape=jax.ShapeDtypeStruct((_B, _CANVAS, _D), cache.dtype),
        cost_estimate=pl.CostEstimate(
            flops=0, bytes_accessed=536_870_912, transcendentals=0),
    )(cache)


def _splice_kernel(index_ref, merged_ref, outin_ref, out_ref, sem):
    del outin_ref
    idx = index_ref[0]
    base = pl.multiple_of((idx // _ALIGN) * _ALIGN, _ALIGN)
    cp = pltpu.make_async_copy(
        merged_ref, out_ref.at[:, pl.ds(base, _WIN), :], sem)
    cp.start()
    cp.wait()


def _tc_splice(index, merged, out):
    return pl.pallas_call(
        _splice_kernel,
        in_specs=[
            pl.BlockSpec(memory_space=pltpu.SMEM),
            pl.BlockSpec(memory_space=pltpu.VMEM),
            pl.BlockSpec(memory_space=pl.ANY),
        ],
        out_specs=pl.BlockSpec(memory_space=pl.ANY),
        out_shape=jax.ShapeDtypeStruct((_B, _CANVAS, _D), out.dtype),
        input_output_aliases={2: 0},
        scratch_shapes=[pltpu.SemaphoreType.DMA],
    )(index, merged, out)


def kernel(value, index, cache):
    merged = _sc_build_merged(value, index, cache)
    out = _tc_bulk_copy(cache)
    return _tc_splice(index, merged, out)

# --- scband reference (transcript-rebuilt; emitter-appended) ---
"""Pipeline reference for scband-cache-55800215110244 (READ-ONLY COPY).

The authoritative reference and input builder live on the scoring server;
editing this copy changes nothing except your own understanding.
"""

import jax, jax.numpy as jnp
import numpy as np

B = 32
CHUNK = 128
CANVAS = 8192
D = 256


def setup_inputs(seed: int = 0) -> dict:
    key = jax.random.key(seed)
    k1, k2 = jax.random.split(key)
    value = jax.random.normal(k1, (B, CHUNK, D), dtype=jnp.float32)
    index = jax.random.randint(k2, (1,), 0, CANVAS - CHUNK, dtype=jnp.int32)
    # cache buffer built by the layer (zeros, shape = batch + canvas + features)
    cache = jnp.zeros((B, CANVAS, D), dtype=jnp.float32)
    return {"value": value, "index": index, "cache": cache}


def reference(value, index, cache):
    # Faithful translation of Cache.call for the chunked-write path
    # (value_index_shape max > 1): builds row indices index[0]..index[0]+S-1
    # and scatter-overwrites cache[:, rows, :] = value for every batch element,
    # matching tf.tensor_scatter_nd_update over the meshgrid of
    # (batch_range, value_range).
    s = value.shape[1]
    rows = index[0] + jnp.arange(s)  # canvas positions being written
    # scatter-overwrite: cache[b, rows, :] = value[b]
    new_cache = cache.at[:, rows, :].set(value)
    return new_cache

if __name__ == "__main__":
    import jax
    _d = setup_inputs()
    print(jax.jit(kernel)(*tuple(_d.values())))

</pallas_src>

<mosaic_0001>
#map = affine_map<(d0, d1) -> (0, 0, 0)>
#map1 = affine_map<(d0, d1) -> (0)>
module attributes {stable_mosaic.version = 14 : i64} {
  func.func @merge(%arg0: i32, %arg1: i32, %arg2: memref<32x128x256xf32, #tpu.memory_space<hbm>>, %arg3: memref<1xi32, #tpu.memory_space<hbm>>, %arg4: memref<32x8192x256xf32, #tpu.memory_space<hbm>>, %arg5: memref<32x136x256xf32, #tpu.memory_space<hbm>>, %arg6: memref<136x256xf32, #tpu.memory_space<vmem>>, %arg7: memref<128x256xf32, #tpu.memory_space<vmem>>, %arg8: memref<16xi32, #tpu.memory_space<vmem>>, %arg9: memref<!tpu.dma_semaphore, #tpu.memory_space<semaphore_mem>>) attributes {dimension_semantics = [#tpu.dimension_semantics<core_parallel>, #tpu.dimension_semantics<subcore_parallel>], iteration_bounds = array<i64: 2, 16>, scalar_prefetch = 0 : i64, scratch_operands = 4 : i64, tpu.core_type = #tpu.core_type<sc_vector_subcore>, window_params = [{transform_indices = #map}, {transform_indices = #map1}, {transform_indices = #map}, {transform_indices = #map}]} {
    %mul3A = arith.constant 2 : i32
    %mul3A_0 = arith.muli %arg1, %mul3A : i32
    %add3A = arith.addi %mul3A_0, %arg0 : i32
    "tpu.region"() ({
      %run_scoped3A = tpu.sem_alloc : memref<!tpu.dma_semaphore, #tpu.memory_space<semaphore_mem>>
      %dma_start3A_53 = arith.constant 0 : i32
      %dma_start3A_54 = tpu.memref_slice %arg8[%dma_start3A_53] : memref<16xi32, #tpu.memory_space<vmem>> -> memref<1xi32, #tpu.memory_space<vmem>>
      %dma_start3A_55 = arith.constant 0 : i32
      %dma_start3A_56 = tpu.memref_slice %arg8[%dma_start3A_55] : memref<16xi32, #tpu.memory_space<vmem>> -> memref<1xi32, #tpu.memory_space<vmem>>
      tpu.enqueue_dma source(%arg3 : memref<1xi32, #tpu.memory_space<hbm>>) target(%dma_start3A_56 : memref<1xi32, #tpu.memory_space<vmem>>) target_semaphore(%run_scoped3A : memref<!tpu.dma_semaphore, #tpu.memory_space<semaphore_mem>>)
      %dma_wait3A_57 = arith.constant 0 : i32
      %dma_wait3A_58 = tpu.memref_slice %arg8[%dma_wait3A_57] : memref<16xi32, #tpu.memory_space<vmem>> -> memref<1xi32, #tpu.memory_space<vmem>>
      %dma_wait3A_59 = arith.constant 0 : i32
      %dma_wait3A_60 = tpu.memref_slice %arg8[%dma_wait3A_59] : memref<16xi32, #tpu.memory_space<vmem>> -> memref<1xi32, #tpu.memory_space<vmem>>
      tpu.wait_dma2 semaphore(%run_scoped3A : memref<!tpu.dma_semaphore, #tpu.memory_space<semaphore_mem>>) src(%arg3 : memref<1xi32, #tpu.memory_space<hbm>>) dst(%dma_wait3A_60 : memref<1xi32, #tpu.memory_space<vmem>>)
      tpu.yield
    }) : () -> ()
    %get3A = arith.constant 0 : index
    %get3A_1 = tpu.vector_load %arg8[%get3A] {strides = array<i32>} : memref<16xi32, #tpu.memory_space<vmem>>, vector<16xi32>,
    %get3A_2 = vector.shape_cast %get3A_1 : vector<16xi32> to vector<16xi32>
    %slice3A = vector.extract_strided_slice %get3A_2 {offsets = [0], sizes = [1], strides = [1]} : vector<16xi32> to vector<1xi32>
    %squeeze3A = vector.extract %slice3A[0] : i32 from vector<1xi32>
    %jit3A = arith.constant 8 : i32
    %div3A = arith.divsi %squeeze3A, %jit3A : i32
    %sign3A = arith.constant 0 : i32
    %sign3A_3 = arith.cmpi sgt, %squeeze3A, %sign3A : i32
    %sign3A_4 = arith.extui %sign3A_3 : i1 to i32
    %sign3A_5 = arith.constant 0 : i32
    %sign3A_6 = arith.cmpi slt, %squeeze3A, %sign3A_5 : i32
    %sign3A_7 = arith.extui %sign3A_6 : i1 to i32
    %sign3A_8 = arith.subi %sign3A_4, %sign3A_7 : i32
    %sign3A_9 = arith.constant 0 : i32
    %sign3A_10 = arith.cmpi sgt, %jit3A, %sign3A_9 : i32
    %sign3A_11 = arith.extui %sign3A_10 : i1 to i32
    %sign3A_12 = arith.constant 0 : i32
    %sign3A_13 = arith.cmpi slt, %jit3A, %sign3A_12 : i32
    %sign3A_14 = arith.extui %sign3A_13 : i1 to i32
    %sign3A_15 = arith.subi %sign3A_11, %sign3A_14 : i32
    %ne3A = arith.cmpi ne, %sign3A_8, %sign3A_15 : i32
    %rem3A = arith.remsi %squeeze3A, %jit3A : i32
    %ne3A_16 = arith.constant 0 : i32
    %ne3A_17 = arith.cmpi ne, %rem3A, %ne3A_16 : i32
    %and3A = arith.andi %ne3A, %ne3A_17 : i1
    %sub3A = arith.constant 1 : i32
    %sub3A_18 = arith.subi %div3A, %sub3A : i32
    %select_n3A = arith.select %and3A, %sub3A_18, %div3A : i32
    %mul3A_19 = arith.constant 8 : i32
    %mul3A_20 = arith.muli %select_n3A, %mul3A_19 : i32
    %multiple_of3A = tpu.assume_multiple %mul3A_20, 8 : i32
    %sub3A_21 = arith.subi %squeeze3A, %multiple_of3A : i32
    %dma_start3A = arith.constant 0 : i32
    %dma_start3A_22 = tpu.memref_slice %arg4[%add3A, %multiple_of3A, %dma_start3A] : memref<32x8192x256xf32, #tpu.memory_space<hbm>> -> memref<1x136x256xf32, #tpu.memory_space<hbm>>
    %dma_start3A_23 = tpu.memref_squeeze %dma_start3A_22 : memref<1x136x256xf32, #tpu.memory_space<hbm>> -> memref<136x256xf32, #tpu.memory_space<hbm>>
    %dma_start3A_24 = arith.constant 0 : i32
    %dma_start3A_25 = tpu.memref_slice %arg4[%add3A, %multiple_of3A, %dma_start3A_24] : memref<32x8192x256xf32, #tpu.memory_space<hbm>> -> memref<1x136x256xf32, #tpu.memory_space<hbm>>
    %dma_start3A_26 = tpu.memref_squeeze %dma_start3A_25 : memref<1x136x256xf32, #tpu.memory_space<hbm>> -> memref<136x256xf32, #tpu.memory_space<hbm>>
    tpu.enqueue_dma source(%dma_start3A_26 : memref<136x256xf32, #tpu.memory_space<hbm>>) target(%arg6 : memref<136x256xf32, #tpu.memory_space<vmem>>) target_semaphore(%arg9 : memref<!tpu.dma_semaphore, #tpu.memory_space<semaphore_mem>>)
    %dma_start3A_27 = arith.constant 0 : i32
    %dma_start3A_28 = arith.constant 0 : i32
    %dma_start3A_29 = tpu.memref_slice %arg2[%add3A, %dma_start3A_27, %dma_start3A_28] : memref<32x128x256xf32, #tpu.memory_space<hbm>> -> memref<1x128x256xf32, #tpu.memory_space<hbm>>
    %dma_start3A_30 = tpu.memref_squeeze %dma_start3A_29 : memref<1x128x256xf32, #tpu.memory_space<hbm>> -> memref<128x256xf32, #tpu.memory_space<hbm>>
    %dma_start3A_31 = arith.constant 0 : i32
    %dma_start3A_32 = arith.constant 0 : i32
    %dma_start3A_33 = tpu.memref_slice %arg2[%add3A, %dma_start3A_31, %dma_start3A_32] : memref<32x128x256xf32, #tpu.memory_space<hbm>> -> memref<1x128x256xf32, #tpu.memory_space<hbm>>
    %dma_start3A_34 = tpu.memref_squeeze %dma_start3A_33 : memref<1x128x256xf32, #tpu.memory_space<hbm>> -> memref<128x256xf32, #tpu.memory_space<hbm>>
    tpu.enqueue_dma source(%dma_start3A_34 : memref<128x256xf32, #tpu.memory_space<hbm>>) target(%arg7 : memref<128x256xf32, #tpu.memory_space<vmem>>) target_semaphore(%arg9 : memref<!tpu.dma_semaphore, #tpu.memory_space<semaphore_mem>>)
    %dma_wait3A = arith.constant 0 : i32
    %dma_wait3A_35 = tpu.memref_slice %arg4[%add3A, %multiple_of3A, %dma_wait3A] : memref<32x8192x256xf32, #tpu.memory_space<hbm>> -> memref<1x136x256xf32, #tpu.memory_space<hbm>>
    %dma_wait3A_36 = tpu.memref_squeeze %dma_wait3A_35 : memref<1x136x256xf32, #tpu.memory_space<hbm>> -> memref<136x256xf32, #tpu.memory_space<hbm>>
    %dma_wait3A_37 = arith.constant 0 : i32
    %dma_wait3A_38 = tpu.memref_slice %arg4[%add3A, %multiple_of3A, %dma_wait3A_37] : memref<32x8192x256xf32, #tpu.memory_space<hbm>> -> memref<1x136x256xf32, #tpu.memory_space<hbm>>
    %dma_wait3A_39 = tpu.memref_squeeze %dma_wait3A_38 : memref<1x136x256xf32, #tpu.memory_space<hbm>> -> memref<136x256xf32, #tpu.memory_space<hbm>>
    tpu.wait_dma2 semaphore(%arg9 : memref<!tpu.dma_semaphore, #tpu.memory_space<semaphore_mem>>) src(%dma_wait3A_39 : memref<136x256xf32, #tpu.memory_space<hbm>>) dst(%arg6 : memref<136x256xf32, #tpu.memory_space<vmem>>)
    %dma_wait3A_40 = arith.constant 0 : i32
    %dma_wait3A_41 = arith.constant 0 : i32
    %dma_wait3A_42 = tpu.memref_slice %arg2[%add3A, %dma_wait3A_40, %dma_wait3A_41] : memref<32x128x256xf32, #tpu.memory_space<hbm>> -> memref<1x128x256xf32, #tpu.memory_space<hbm>>
    %dma_wait3A_43 = tpu.memref_squeeze %dma_wait3A_42 : memref<1x128x256xf32, #tpu.memory_space<hbm>> -> memref<128x256xf32, #tpu.memory_space<hbm>>
    %dma_wait3A_44 = arith.constant 0 : i32
    %dma_wait3A_45 = arith.constant 0 : i32
    %dma_wait3A_46 = tpu.memref_slice %arg2[%add3A, %dma_wait3A_44, %dma_wait3A_45] : memref<32x128x256xf32, #tpu.memory_space<hbm>> -> memref<1x128x256xf32, #tpu.memory_space<hbm>>
    %dma_wait3A_47 = tpu.memref_squeeze %dma_wait3A_46 : memref<1x128x256xf32, #tpu.memory_space<hbm>> -> memref<128x256xf32, #tpu.memory_space<hbm>>
    tpu.wait_dma2 semaphore(%arg9 : memref<!tpu.dma_semaphore, #tpu.memory_space<semaphore_mem>>) src(%dma_wait3A_47 : memref<128x256xf32, #tpu.memory_space<hbm>>) dst(%arg7 : memref<128x256xf32, #tpu.memory_space<vmem>>)
    %scan3A = arith.constant 0 : i32
    %scan3A_48 = arith.constant 0 : i32
    %scan3A_49 = arith.constant 128 : i32
    %scan3A_50 = arith.addi %scan3A_48, %scan3A_49 : i32
    %scan3A_51 = arith.constant 1 : i32
    scf.for %scan3A_53 = %scan3A_48 to %scan3A_50 step %scan3A_51  : i32 {
      %get3A_54 = arith.index_cast %scan3A_53 : i32 to index
      %get3A_55 = arith.constant 0 : index
      %get3A_56 = tpu.vector_load %arg7[%get3A_54, %get3A_55] {strides = array<i32>} : memref<128x256xf32, #tpu.memory_space<vmem>>, vector<1x16xf32>,
      %get3A_57 = vector.shape_cast %get3A_56 : vector<1x16xf32> to vector<16xf32>
      %add3A_58 = arith.addi %sub3A_21, %scan3A_53 : i32
      %swap3A = arith.index_cast %add3A_58 : i32 to index
      %swap3A_59 = arith.constant 0 : index
      %swap3A_60 = tpu.vector_load %arg6[%swap3A, %swap3A_59] {strides = array<i32>} : memref<136x256xf32, #tpu.memory_space<vmem>>, vector<1x16xf32>,
      %swap3A_61 = vector.shape_cast %swap3A_60 : vector<1x16xf32> to vector<16xf32>
      %swap3A_62 = vector.shape_cast %get3A_57 : vector<16xf32> to vector<1x16xf32>
      tpu.vector_store %arg6[%swap3A, %swap3A_59], %swap3A_62 {strides = array<i32>} : memref<136x256xf32, #tpu.memory_space<vmem>>, vector<1x16xf32>,
      %get3A_63 = arith.index_cast %scan3A_53 : i32 to index
      %get3A_64 = arith.constant 16 : index
      %get3A_65 = tpu.vector_load %arg7[%get3A_63, %get3A_64] {strides = array<i32>} : memref<128x256xf32, #tpu.memory_space<vmem>>, vector<1x16xf32>,
      %get3A_66 = vector.shape_cast %get3A_65 : vector<1x16xf32> to vector<16xf32>
      %add3A_67 = arith.addi %sub3A_21, %scan3A_53 : i32
      %swap3A_68 = arith.index_cast %add3A_67 : i32 to index
      %swap3A_69 = arith.constant 16 : index
      %swap3A_70 = tpu.vector_load %arg6[%swap3A_68, %swap3A_69] {strides = array<i32>} : memref<136x256xf32, #tpu.memory_space<vmem>>, vector<1x16xf32>,
      %swap3A_71 = vector.shape_cast %swap3A_70 : vector<1x16xf32> to vector<16xf32>
      %swap3A_72 = vector.shape_cast %get3A_66 : vector<16xf32> to vector<1x16xf32>
      tpu.vector_store %arg6[%swap3A_68, %swap3A_69], %swap3A_72 {strides = array<i32>} : memref<136x256xf32, #tpu.memory_space<vmem>>, vector<1x16xf32>,
      %get3A_73 = arith.index_cast %scan3A_53 : i32 to index
      %get3A_74 = arith.constant 32 : index
      %get3A_75 = tpu.vector_load %arg7[%get3A_73, %get3A_74] {strides = array<i32>} : memref<128x256xf32, #tpu.memory_space<vmem>>, vector<1x16xf32>,
      %get3A_76 = vector.shape_cast %get3A_75 : vector<1x16xf32> to vector<16xf32>
      %add3A_77 = arith.addi %sub3A_21, %scan3A_53 : i32
      %swap3A_78 = arith.index_cast %add3A_77 : i32 to index
      %swap3A_79 = arith.constant 32 : index
      %swap3A_80 = tpu.vector_load %arg6[%swap3A_78, %swap3A_79] {strides = array<i32>} : memref<136x256xf32, #tpu.memory_space<vmem>>, vector<1x16xf32>,
      %swap3A_81 = vector.shape_cast %swap3A_80 : vector<1x16xf32> to vector<16xf32>
      %swap3A_82 = vector.shape_cast %get3A_76 : vector<16xf32> to vector<1x16xf32>
      tpu.vector_store %arg6[%swap3A_78, %swap3A_79], %swap3A_82 {strides = array<i32>} : memref<136x256xf32, #tpu.memory_space<vmem>>, vector<1x16xf32>,
      %get3A_83 = arith.index_cast %scan3A_53 : i32 to index
      %get3A_84 = arith.constant 48 : index
      %get3A_85 = tpu.vector_load %arg7[%get3A_83, %get3A_84] {strides = array<i32>} : memref<128x256xf32, #tpu.memory_space<vmem>>, vector<1x16xf32>,
      %get3A_86 = vector.shape_cast %get3A_85 : vector<1x16xf32> to vector<16xf32>
      %add3A_87 = arith.addi %sub3A_21, %scan3A_53 : i32
      %swap3A_88 = arith.index_cast %add3A_87 : i32 to index
      %swap3A_89 = arith.constant 48 : index
      %swap3A_90 = tpu.vector_load %arg6[%swap3A_88, %swap3A_89] {strides = array<i32>} : memref<136x256xf32, #tpu.memory_space<vmem>>, vector<1x16xf32>,
      %swap3A_91 = vector.shape_cast %swap3A_90 : vector<1x16xf32> to vector<16xf32>
      %swap3A_92 = vector.shape_cast %get3A_86 : vector<16xf32> to vector<1x16xf32>
      tpu.vector_store %arg6[%swap3A_88, %swap3A_89], %swap3A_92 {strides = array<i32>} : memref<136x256xf32, #tpu.memory_space<vmem>>, vector<1x16xf32>,
      %get3A_93 = arith.index_cast %scan3A_53 : i32 to index
      %get3A_94 = arith.constant 64 : index
      %get3A_95 = tpu.vector_load %arg7[%get3A_93, %get3A_94] {strides = array<i32>} : memref<128x256xf32, #tpu.memory_space<vmem>>, vector<1x16xf32>,
      %get3A_96 = vector.shape_cast %get3A_95 : vector<1x16xf32> to vector<16xf32>
      %add3A_97 = arith.addi %sub3A_21, %scan3A_53 : i32
      %swap3A_98 = arith.index_cast %add3A_97 : i32 to index
      %swap3A_99 = arith.constant 64 : index
      %swap3A_100 = tpu.vector_load %arg6[%swap3A_98, %swap3A_99] {strides = array<i32>} : memref<136x256xf32, #tpu.memory_space<vmem>>, vector<1x16xf32>,
      %swap3A_101 = vector.shape_cast %swap3A_100 : vector<1x16xf32> to vector<16xf32>
      %swap3A_102 = vector.shape_cast %get3A_96 : vector<16xf32> to vector<1x16xf32>
      tpu.vector_store %arg6[%swap3A_98, %swap3A_99], %swap3A_102 {strides = array<i32>} : memref<136x256xf32, #tpu.memory_space<vmem>>, vector<1x16xf32>,
      %get3A_103 = arith.index_cast %scan3A_53 : i32 to index
      %get3A_104 = arith.constant 80 : index
      %get3A_105 = tpu.vector_load %arg7[%get3A_103, %get3A_104] {strides = array<i32>} : memref<128x256xf32, #tpu.memory_space<vmem>>, vector<1x16xf32>,
      %get3A_106 = vector.shape_cast %get3A_105 : vector<1x16xf32> to vector<16xf32>
      %add3A_107 = arith.addi %sub3A_21, %scan3A_53 : i32
      %swap3A_108 = arith.index_cast %add3A_107 : i32 to index
      %swap3A_109 = arith.constant 80 : index
      %swap3A_110 = tpu.vector_load %arg6[%swap3A_108, %swap3A_109] {strides = array<i32>} : memref<136x256xf32, #tpu.memory_space<vmem>>, vector<1x16xf32>,
      %swap3A_111 = vector.shape_cast %swap3A_110 : vector<1x16xf32> to vector<16xf32>
      %swap3A_112 = vector.shape_cast %get3A_106 : vector<16xf32> to vector<1x16xf32>
      tpu.vector_store %arg6[%swap3A_108, %swap3A_109], %swap3A_112 {strides = array<i32>} : memref<136x256xf32, #tpu.memory_space<vmem>>, vector<1x16xf32>,
      %get3A_113 = arith.index_cast %scan3A_53 : i32 to index
      %get3A_114 = arith.constant 96 : index
      %get3A_115 = tpu.vector_load %arg7[%get3A_113, %get3A_114] {strides = array<i32>} : memref<128x256xf32, #tpu.memory_space<vmem>>, vector<1x16xf32>,
      %get3A_116 = vector.shape_cast %get3A_115 : vector<1x16xf32> to vector<16xf32>
      %add3A_117 = arith.addi %sub3A_21, %scan3A_53 : i32
      %swap3A_118 = arith.index_cast %add3A_117 : i32 to index
      %swap3A_119 = arith.constant 96 : index
      %swap3A_120 = tpu.vector_load %arg6[%swap3A_118, %swap3A_119] {strides = array<i32>} : memref<136x256xf32, #tpu.memory_space<vmem>>, vector<1x16xf32>,
      %swap3A_121 = vector.shape_cast %swap3A_120 : vector<1x16xf32> to vector<16xf32>
      %swap3A_122 = vector.shape_cast %get3A_116 : vector<16xf32> to vector<1x16xf32>
      tpu.vector_store %arg6[%swap3A_118, %swap3A_119], %swap3A_122 {strides = array<i32>} : memref<136x256xf32, #tpu.memory_space<vmem>>, vector<1x16xf32>,
      %get3A_123 = arith.index_cast %scan3A_53 : i32 to index
      %get3A_124 = arith.constant 112 : index
      %get3A_125 = tpu.vector_load %arg7[%get3A_123, %get3A_124] {strides = array<i32>} : memref<128x256xf32, #tpu.memory_space<vmem>>, vector<1x16xf32>,
      %get3A_126 = vector.shape_cast %get3A_125 : vector<1x16xf32> to vector<16xf32>
      %add3A_127 = arith.addi %sub3A_21, %scan3A_53 : i32
      %swap3A_128 = arith.index_cast %add3A_127 : i32 to index
      %swap3A_129 = arith.constant 112 : index
      %swap3A_130 = tpu.vector_load %arg6[%swap3A_128, %swap3A_129] {strides = array<i32>} : memref<136x256xf32, #tpu.memory_space<vmem>>, vector<1x16xf32>,
      %swap3A_131 = vector.shape_cast %swap3A_130 : vector<1x16xf32> to vector<16xf32>
      %swap3A_132 = vector.shape_cast %get3A_126 : vector<16xf32> to vector<1x16xf32>
      tpu.vector_store %arg6[%swap3A_128, %swap3A_129], %swap3A_132 {strides = array<i32>} : memref<136x256xf32, #tpu.memory_space<vmem>>, vector<1x16xf32>,
      %get3A_133 = arith.index_cast %scan3A_53 : i32 to index
      %get3A_134 = arith.constant 128 : index
      %get3A_135 = tpu.vector_load %arg7[%get3A_133, %get3A_134] {strides = array<i32>} : memref<128x256xf32, #tpu.memory_space<vmem>>, vector<1x16xf32>,
      %get3A_136 = vector.shape_cast %get3A_135 : vector<1x16xf32> to vector<16xf32>
      %add3A_137 = arith.addi %sub3A_21, %scan3A_53 : i32
      %swap3A_138 = arith.index_cast %add3A_137 : i32 to index
      %swap3A_139 = arith.constant 128 : index
      %swap3A_140 = tpu.vector_load %arg6[%swap3A_138, %swap3A_139] {strides = array<i32>} : memref<136x256xf32, #tpu.memory_space<vmem>>, vector<1x16xf32>,
      %swap3A_141 = vector.shape_cast %swap3A_140 : vector<1x16xf32> to vector<16xf32>
      %swap3A_142 = vector.shape_cast %get3A_136 : vector<16xf32> to vector<1x16xf32>
      tpu.vector_store %arg6[%swap3A_138, %swap3A_139], %swap3A_142 {strides = array<i32>} : memref<136x256xf32, #tpu.memory_space<vmem>>, vector<1x16xf32>,
      %get3A_143 = arith.index_cast %scan3A_53 : i32 to index
      %get3A_144 = arith.constant 144 : index
      %get3A_145 = tpu.vector_load %arg7[%get3A_143, %get3A_144] {strides = array<i32>} : memref<128x256xf32, #tpu.memory_space<vmem>>, vector<1x16xf32>,
      %get3A_146 = vector.shape_cast %get3A_145 : vector<1x16xf32> to vector<16xf32>
      %add3A_147 = arith.addi %sub3A_21, %scan3A_53 : i32
      %swap3A_148 = arith.index_cast %add3A_147 : i32 to index
      %swap3A_149 = arith.constant 144 : index
      %swap3A_150 = tpu.vector_load %arg6[%swap3A_148, %swap3A_149] {strides = array<i32>} : memref<136x256xf32, #tpu.memory_space<vmem>>, vector<1x16xf32>,
      %swap3A_151 = vector.shape_cast %swap3A_150 : vector<1x16xf32> to vector<16xf32>
      %swap3A_152 = vector.shape_cast %get3A_146 : vector<16xf32> to vector<1x16xf32>
      tpu.vector_store %arg6[%swap3A_148, %swap3A_149], %swap3A_152 {strides = array<i32>} : memref<136x256xf32, #tpu.memory_space<vmem>>, vector<1x16xf32>,
      %get3A_153 = arith.index_cast %scan3A_53 : i32 to index
      %get3A_154 = arith.constant 160 : index
      %get3A_155 = tpu.vector_load %arg7[%get3A_153, %get3A_154] {strides = array<i32>} : memref<128x256xf32, #tpu.memory_space<vmem>>, vector<1x16xf32>,
      %get3A_156 = vector.shape_cast %get3A_155 : vector<1x16xf32> to vector<16xf32>
      %add3A_157 = arith.addi %sub3A_21, %scan3A_53 : i32
      %swap3A_158 = arith.index_cast %add3A_157 : i32 to index
      %swap3A_159 = arith.constant 160 : index
      %swap3A_160 = tpu.vector_load %arg6[%swap3A_158, %swap3A_159] {strides = array<i32>} : memref<136x256xf32, #tpu.memory_space<vmem>>, vector<1x16xf32>,
      %swap3A_161 = vector.shape_cast %swap3A_160 : vector<1x16xf32> to vector<16xf32>
      %swap3A_162 = vector.shape_cast %get3A_156 : vector<16xf32> to vector<1x16xf32>
      tpu.vector_store %arg6[%swap3A_158, %swap3A_159], %swap3A_162 {strides = array<i32>} : memref<136x256xf32, #tpu.memory_space<vmem>>, vector<1x16xf32>,
      %get3A_163 = arith.index_cast %scan3A_53 : i32 to index
      %get3A_164 = arith.constant 176 : index
      %get3A_165 = tpu.vector_load %arg7[%get3A_163, %get3A_164] {strides = array<i32>} : memref<128x256xf32, #tpu.memory_space<vmem>>, vector<1x16xf32>,
      %get3A_166 = vector.shape_cast %get3A_165 : vector<1x16xf32> to vector<16xf32>
      %add3A_167 = arith.addi %sub3A_21, %scan3A_53 : i32
      %swap3A_168 = arith.index_cast %add3A_167 : i32 to index
      %swap3A_169 = arith.constant 176 : index
      %swap3A_170 = tpu.vector_load %arg6[%swap3A_168, %swap3A_169] {strides = array<i32>} : memref<136x256xf32, #tpu.memory_space<vmem>>, vector<1x16xf32>,
      %swap3A_171 = vector.shape_cast %swap3A_170 : vector<1x16xf32> to vector<16xf32>
      %swap3A_172 = vector.shape_cast %get3A_166 : vector<16xf32> to vector<1x16xf32>
      tpu.vector_store %arg6[%swap3A_168, %swap3A_169], %swap3A_172 {strides = array<i32>} : memref<136x256xf32, #tpu.memory_space<vmem>>, vector<1x16xf32>,
      %get3A_173 = arith.index_cast %scan3A_53 : i32 to index
      %get3A_174 = arith.constant 192 : index
      %get3A_175 = tpu.vector_load %arg7[%get3A_173, %get3A_174] {strides = array<i32>} : memref<128x256xf32, #tpu.memory_space<vmem>>, vector<1x16xf32>,
      %get3A_176 = vector.shape_cast %get3A_175 : vector<1x16xf32> to vector<16xf32>
      %add3A_177 = arith.addi %sub3A_21, %scan3A_53 : i32
      %swap3A_178 = arith.index_cast %add3A_177 : i32 to index
      %swap3A_179 = arith.constant 192 : index
      %swap3A_180 = tpu.vector_load %arg6[%swap3A_178, %swap3A_179] {strides = array<i32>} : memref<136x256xf32, #tpu.memory_space<vmem>>, vector<1x16xf32>,
      %swap3A_181 = vector.shape_cast %swap3A_180 : vector<1x16xf32> to vector<16xf32>
      %swap3A_182 = vector.shape_cast %get3A_176 : vector<16xf32> to vector<1x16xf32>
      tpu.vector_store %arg6[%swap3A_178, %swap3A_179], %swap3A_182 {strides = array<i32>} : memref<136x256xf32, #tpu.memory_space<vmem>>, vector<1x16xf32>,
      %get3A_183 = arith.index_cast %scan3A_53 : i32 to index
      %get3A_184 = arith.constant 208 : index
      %get3A_185 = tpu.vector_load %arg7[%get3A_183, %get3A_184] {strides = array<i32>} : memref<128x256xf32, #tpu.memory_space<vmem>>, vector<1x16xf32>,
      %get3A_186 = vector.shape_cast %get3A_185 : vector<1x16xf32> to vector<16xf32>
      %add3A_187 = arith.addi %sub3A_21, %scan3A_53 : i32
      %swap3A_188 = arith.index_cast %add3A_187 : i32 to index
      %swap3A_189 = arith.constant 208 : index
      %swap3A_190 = tpu.vector_load %arg6[%swap3A_188, %swap3A_189] {strides = array<i32>} : memref<136x256xf32, #tpu.memory_space<vmem>>, vector<1x16xf32>,
      %swap3A_191 = vector.shape_cast %swap3A_190 : vector<1x16xf32> to vector<16xf32>
      %swap3A_192 = vector.shape_cast %get3A_186 : vector<16xf32> to vector<1x16xf32>
      tpu.vector_store %arg6[%swap3A_188, %swap3A_189], %swap3A_192 {strides = array<i32>} : memref<136x256xf32, #tpu.memory_space<vmem>>, vector<1x16xf32>,
      %get3A_193 = arith.index_cast %scan3A_53 : i32 to index
      %get3A_194 = arith.constant 224 : index
      %get3A_195 = tpu.vector_load %arg7[%get3A_193, %get3A_194] {strides = array<i32>} : memref<128x256xf32, #tpu.memory_space<vmem>>, vector<1x16xf32>,
      %get3A_196 = vector.shape_cast %get3A_195 : vector<1x16xf32> to vector<16xf32>
      %add3A_197 = arith.addi %sub3A_21, %scan3A_53 : i32
      %swap3A_198 = arith.index_cast %add3A_197 : i32 to index
      %swap3A_199 = arith.constant 224 : index
      %swap3A_200 = tpu.vector_load %arg6[%swap3A_198, %swap3A_199] {strides = array<i32>} : memref<136x256xf32, #tpu.memory_space<vmem>>, vector<1x16xf32>,
      %swap3A_201 = vector.shape_cast %swap3A_200 : vector<1x16xf32> to vector<16xf32>
      %swap3A_202 = vector.shape_cast %get3A_196 : vector<16xf32> to vector<1x16xf32>
      tpu.vector_store %arg6[%swap3A_198, %swap3A_199], %swap3A_202 {strides = array<i32>} : memref<136x256xf32, #tpu.memory_space<vmem>>, vector<1x16xf32>,
      %get3A_203 = arith.index_cast %scan3A_53 : i32 to index
      %get3A_204 = arith.constant 240 : index
      %get3A_205 = tpu.vector_load %arg7[%get3A_203, %get3A_204] {strides = array<i32>} : memref<128x256xf32, #tpu.memory_space<vmem>>, vector<1x16xf32>,
      %get3A_206 = vector.shape_cast %get3A_205 : vector<1x16xf32> to vector<16xf32>
      %add3A_207 = arith.addi %sub3A_21, %scan3A_53 : i32
      %swap3A_208 = arith.index_cast %add3A_207 : i32 to index
      %swap3A_209 = arith.constant 240 : index
      %swap3A_210 = tpu.vector_load %arg6[%swap3A_208, %swap3A_209] {strides = array<i32>} : memref<136x256xf32, #tpu.memory_space<vmem>>, vector<1x16xf32>,
      %swap3A_211 = vector.shape_cast %swap3A_210 : vector<1x16xf32> to vector<16xf32>
      %swap3A_212 = vector.shape_cast %get3A_206 : vector<16xf32> to vector<1x16xf32>
      tpu.vector_store %arg6[%swap3A_208, %swap3A_209], %swap3A_212 {strides = array<i32>} : memref<136x256xf32, #tpu.memory_space<vmem>>, vector<1x16xf32>,
    }
    %scan3A_52 = arith.constant 128 : i32
    "tpu.region"() ({
      %run_scoped3A = tpu.sem_alloc : memref<!tpu.dma_semaphore, #tpu.memory_space<semaphore_mem>>
      %dma_start3A_53 = arith.constant 0 : i32
      %dma_start3A_54 = arith.constant 0 : i32
      %dma_start3A_55 = tpu.memref_slice %arg5[%add3A, %dma_start3A_53, %dma_start3A_54] : memref<32x136x256xf32, #tpu.memory_space<hbm>> -> memref<1x136x256xf32, #tpu.memory_space<hbm>>
      %dma_start3A_56 = tpu.memref_squeeze %dma_start3A_55 : memref<1x136x256xf32, #tpu.memory_space<hbm>> -> memref<136x256xf32, #tpu.memory_space<hbm>>
      %dma_start3A_57 = arith.constant 0 : i32
      %dma_start3A_58 = arith.constant 0 : i32
      %dma_start3A_59 = tpu.memref_slice %arg5[%add3A, %dma_start3A_57, %dma_start3A_58] : memref<32x136x256xf32, #tpu.memory_space<hbm>> -> memref<1x136x256xf32, #tpu.memory_space<hbm>>
      %dma_start3A_60 = tpu.memref_squeeze %dma_start3A_59 : memref<1x136x256xf32, #tpu.memory_space<hbm>> -> memref<136x256xf32, #tpu.memory_space<hbm>>
      tpu.enqueue_dma source(%arg6 : memref<136x256xf32, #tpu.memory_space<vmem>>) target(%dma_start3A_60 : memref<136x256xf32, #tpu.memory_space<hbm>>) target_semaphore(%run_scoped3A : memref<!tpu.dma_semaphore, #tpu.memory_space<semaphore_mem>>)
      %dma_wait3A_61 = arith.constant 0 : i32
      %dma_wait3A_62 = arith.constant 0 : i32
      %dma_wait3A_63 = tpu.memref_slice %arg5[%add3A, %dma_wait3A_61, %dma_wait3A_62] : memref<32x136x256xf32, #tpu.memory_space<hbm>> -> memref<1x136x256xf32, #tpu.memory_space<hbm>>
      %dma_wait3A_64 = tpu.memref_squeeze %dma_wait3A_63 : memref<1x136x256xf32, #tpu.memory_space<hbm>> -> memref<136x256xf32, #tpu.memory_space<hbm>>
      %dma_wait3A_65 = arith.constant 0 : i32
      %dma_wait3A_66 = arith.constant 0 : i32
      %dma_wait3A_67 = tpu.memref_slice %arg5[%add3A, %dma_wait3A_65, %dma_wait3A_66] : memref<32x136x256xf32, #tpu.memory_space<hbm>> -> memref<1x136x256xf32, #tpu.memory_space<hbm>>
      %dma_wait3A_68 = tpu.memref_squeeze %dma_wait3A_67 : memref<1x136x256xf32, #tpu.memory_space<hbm>> -> memref<136x256xf32, #tpu.memory_space<hbm>>
      tpu.wait_dma2 semaphore(%run_scoped3A : memref<!tpu.dma_semaphore, #tpu.memory_space<semaphore_mem>>) src(%arg6 : memref<136x256xf32, #tpu.memory_space<vmem>>) dst(%dma_wait3A_68 : memref<136x256xf32, #tpu.memory_space<hbm>>)
      tpu.yield
    }) : () -> ()
    return
  }
}

module attributes {stable_mosaic.version = 14 : i64} {
  func.func @_splice_kernel(%arg0: memref<1xi32, #tpu.memory_space<smem>>, %arg1: memref<32x136x256xf32, #tpu.memory_space<vmem>>, %arg2: memref<32x8192x256xf32, #tpu.memory_space<any>>, %arg3: memref<32x8192x256xf32, #tpu.memory_space<any>>, %arg4: memref<!tpu.dma_semaphore, #tpu.memory_space<semaphore_mem>>) attributes {dimension_semantics = [], scalar_prefetch = 0 : i64, scratch_operands = 1 : i64, tpu.core_type = #tpu.core_type<tc>} {
    %get3A = arith.constant 0 : index
    %get3A_0 = memref.load %arg0[%get3A] : memref<1xi32, #tpu.memory_space<smem>>
    %jit3A = arith.constant 8 : i32
    %div3A = arith.divsi %get3A_0, %jit3A : i32
    %sign3A = arith.constant 0 : i32
    %sign3A_1 = arith.cmpi sgt, %get3A_0, %sign3A : i32
    %sign3A_2 = arith.extui %sign3A_1 : i1 to i32
    %sign3A_3 = arith.constant 0 : i32
    %sign3A_4 = arith.cmpi slt, %get3A_0, %sign3A_3 : i32
    %sign3A_5 = arith.extui %sign3A_4 : i1 to i32
    %sign3A_6 = arith.subi %sign3A_2, %sign3A_5 : i32
    %sign3A_7 = arith.constant 0 : i32
    %sign3A_8 = arith.cmpi sgt, %jit3A, %sign3A_7 : i32
    %sign3A_9 = arith.extui %sign3A_8 : i1 to i32
    %sign3A_10 = arith.constant 0 : i32
    %sign3A_11 = arith.cmpi slt, %jit3A, %sign3A_10 : i32
    %sign3A_12 = arith.extui %sign3A_11 : i1 to i32
    %sign3A_13 = arith.subi %sign3A_9, %sign3A_12 : i32
    %ne3A = arith.cmpi ne, %sign3A_6, %sign3A_13 : i32
    %rem3A = arith.remsi %get3A_0, %jit3A : i32
    %ne3A_14 = arith.constant 0 : i32
    %ne3A_15 = arith.cmpi ne, %rem3A, %ne3A_14 : i32
    %and3A = arith.andi %ne3A, %ne3A_15 : i1
    %sub3A = arith.constant 1 : i32
    %sub3A_16 = arith.subi %div3A, %sub3A : i32
    %select_n3A = arith.select %and3A, %sub3A_16, %div3A : i32
    %mul3A = arith.constant 8 : i32
    %mul3A_17 = arith.muli %select_n3A, %mul3A : i32
    %multiple_of3A = tpu.assume_multiple %mul3A_17, 8 : i32
    %dma_start3A = arith.constant 0 : i32
    %dma_start3A_18 = arith.constant 0 : i32
    %dma_start3A_19 = tpu.memref_slice %arg3[%dma_start3A, %multiple_of3A, %dma_start3A_18] : memref<32x8192x256xf32, #tpu.memory_space<any>> -> memref<32x136x256xf32, #tpu.memory_space<any>>
    tpu.enqueue_dma source(%arg1 : memref<32x136x256xf32, #tpu.memory_space<vmem>>) target(%dma_start3A_19 : memref<32x136x256xf32, #tpu.memory_space<any>>) target_semaphore(%arg4 : memref<!tpu.dma_semaphore, #tpu.memory_space<semaphore_mem>>)
    %dma_wait3A = arith.constant 0 : i32
    %dma_wait3A_20 = arith.constant 0 : i32
    %dma_wait3A_21 = tpu.memref_slice %arg3[%dma_wait3A, %multiple_of3A, %dma_wait3A_20] : memref<32x8192x256xf32, #tpu.memory_space<any>> -> memref<32x136x256xf32, #tpu.memory_space<any>>
    tpu.wait_dma2 semaphore(%arg4 : memref<!tpu.dma_semaphore, #tpu.memory_space<semaphore_mem>>) src(%arg1 : memref<32x136x256xf32, #tpu.memory_space<vmem>>) dst(%dma_wait3A_21 : memref<32x136x256xf32, #tpu.memory_space<any>>)
    return
  }
}

module attributes {stable_mosaic.version = 14 : i64} {
  func.func @_copy_kernel(%arg0: i32, %arg1: memref<1x8192x256xf32, #tpu.memory_space<vmem>>, %arg2: memref<1x8192x256xf32, #tpu.memory_space<vmem>>) attributes {dimension_semantics = [#tpu.dimension_semantics<arbitrary>], iteration_bounds = array<i64: 32>, scalar_prefetch = 0 : i64, scratch_operands = 0 : i64, tpu.core_type = #tpu.core_type<tc>, window_params = [{transform_indices = @transform_0, window_bounds = array<i64: 1, 8192, 256>}, {transform_indices = @transform_1, window_bounds = array<i64: 1, 8192, 256>}]} {
    %get3A = arith.constant 0 : index
    %get3A_0 = arith.constant 0 : index
    %get3A_1 = arith.constant 0 : index
    %get3A_2 = vector.load %arg1[%get3A, %get3A_0, %get3A_1] : memref<1x8192x256xf32, #tpu.memory_space<vmem>>, vector<1x8192x256xf32>
    %swap3A = arith.constant 0 : index
    %swap3A_3 = arith.constant 0 : index
    %swap3A_4 = arith.constant 0 : index
    %swap3A_5 = vector.load %arg2[%swap3A, %swap3A_3, %swap3A_4] : memref<1x8192x256xf32, #tpu.memory_space<vmem>>, vector<1x8192x256xf32>
    tpu.vector_store %arg2[%swap3A, %swap3A_3, %swap3A_4], %get3A_2 {strides = array<i32>} : memref<1x8192x256xf32, #tpu.memory_space<vmem>>, vector<1x8192x256xf32>,
    return
  }
  func.func @transform_0(%arg0: i32) -> (i32, i32, i32) {
    %c0_i32 = arith.constant 0 : i32
    %c0_i32_0 = arith.constant 0 : i32
    %c0_i32_1 = arith.constant 0 : i32
    return %arg0, %c0_i32, %c0_i32_0 : i32, i32, i32
  }
  func.func @transform_1(%arg0: i32) -> (i32, i32, i32) {
    %c0_i32 = arith.constant 0 : i32
    %c0_i32_0 = arith.constant 0 : i32
    %c0_i32_1 = arith.constant 0 : i32
    return %arg0, %c0_i32, %c0_i32_0 : i32, i32, i32
  }
}

</mosaic_0001>

<sc_bundles>
// kernel: kernel.5.cloned.1.call-start
scs
__scs_entry_jumppad:
0x0: {  	(pc) =	sbr.rel $0x88, $3  }
0x1: {  	(tag) =	ssettag $0x0;
	lr =	simm.s32 $0x1  }
0x2: {  	[smem:$0x3F9E] =	sst lr;
	_ =	strace $0xD0000000  }
0x3: {  	_ = 	snop  }
0x4: {  	_ = 	snop  }
0x5: {  	_ = 	snop  }
0x6: {  	_ = 	snop  }
0x7: {  	_ = 	snop  }
__scs_overlays_trampoline_lowered:
0x8: {  	[smem:$0x3FAD] =	sst s0  }
0x9: {  	[smem:$0x3FAE] =	sst s1  }
0xa: {  	[smem:$0x3FAF] =	sst s2  }
0xb: {  	[smem:$0x3FB0] =	sst s3  }
0xc: {  	[smem:$0x3FB1] =	sst s4  }
0xd: {  	[smem:$0x3FB2] =	sst s5  }
0xe: {  	[smem:$0x3FB3] =	sst s6  }
0xf: {  	[smem:$0x3FB4] =	sst s7  }
0x10: {  	[smem:$0x3FB5] =	sst s8  }
0x11: {  	[smem:$0x3FB6] =	sst s9;
	s0 =	simm.s32 @!p0 $0x0  }
0x12: {  	s1 =	sld [smem:$0x3F9C];
	s0 =	simm.s32 @p0 $0x1  }
0x13: {  	[smem:$0x3FB7] =	sst s0;
	s0 =	simm.s32 @!p1 $0x0  }
0x14: {  	s2 =	sld [smem:$0x3F9B];
	s0 =	simm.s32 @p1 $0x1  }
0x15: {  	[smem:$0x3FB8] =	sst s0;
	s0 =	simm.s32 @!p2 $0x0  }
0x16: {  	s3 =	sld [smem:$0x3FDB];
	s0 =	simm.s32 @p2 $0x1  }
0x17: {  	s4 =	simm.s32 $0x1BF5;
	[smem:$0x3FBA] =	sst s0  }
0x18: {  	s0 =	sld [smem:$0x3F9D];
	_ =	swait.ge [sflag:s4], $0x0  }
0x19: {  	s7 =	sld [smem:$0x3F9E]  }
0x1a: {  	s8 =	sadd.s32 $0xFFFFE003, lr  }
0x1b: {  	s9 =	sadd.s32 $0xFFFFFEF7, lr;
	s5 =	simm.s32 $0xFFFFFFFF;
	p2 =	slt.u32 s8, $0xFFFFF086  }
0x1c: {  	p1 =	slt.u32 s9, $0xF7A;
	s5 =	simm.s32 @!p2 $0x0  }
0x1d: {  	s5 =	simm.s32 @p1 $0x1;
	p0 =	seq.s32 s7, s2  }
0x1e: {  	s7 =	smul.u32 @!p0 $0xF7A, s2;
	p2 =	seq.s32 @!p0 s5, $0x0  }
0x1f: {  	s9 =	smul.u32 $0xF7A, s1;
	s8 =	simm.s32 @!p0 $0x1BF5;
	p2 =	por !p2, p0  }
0x20: {  	[sflag:s8] =	ssyncset.s32 @!p0 $0xFFFFF086;
	s6 =	sadd.s32 @!p0 s3, s7;
	s7 =	simm.s32 @!p0 $0x108  }
0x21: {  	s3 =	sadd.s32 s3, s9;
	s6 =	sadd.s32 @!p0 $0x88, s6;
	s7 =	simm.s32 @p2 $0x1082  }
0x22: {  	[simem:s7], [sflag:s8] =	dma.local @!p0 [hbm:s6], $0xF7A  }
0x23: {  	s9 =	sor.u32 $0xD0000000, s2;
	s6 =	simm.s32 $0x108;
	_ =	swait.ge @!p0 [sflag:s8], $0x0  }
0x24: {  	s3 =	sadd.s32 $0x88, s3;
	s6 =	simm.s32 @!p1 $0x1082;
	[sflag:s4] =	ssyncset.s32 $0xFFFFF086  }
0x25: {  	[simem:s6], [sflag:s4] =	dma.local [hbm:s3], $0xF7A  }
0x26: {  	[smem:$0x3F9E] =	sst s1;
	(tag) =	ssettag s2;
	_ =	strace s9  }
0x27: {  	s1 =	sld [smem:$0x3FAE]  }
0x28: {  	s2 =	sld [smem:$0x3FAF]  }
0x29: {  	s4 =	sld [smem:$0x3FB1]  }
0x2a: {  	p0 =	seq.s32 s5, $0x0;
	s5 =	sld [smem:$0x3FB2]  }
0x2b: {  	s6 =	sld [smem:$0x3FB3]  }
0x2c: {  	s7 =	sld [smem:$0x3FB4]  }
0x2d: {  	s3 =	simm.s32 $0x108;
	s8 =	sld [smem:$0x3FB5]  }
0x2e: {  	s3 =	simm.s32 @!p0 $0x1082;
	s9 =	sld [smem:$0x3FB6]  }
0x2f: {  	lr =	sadd.s32 s0, s3;
	s0 =	sld [smem:$0x3FAD]  }
0x30: {  	s3 =	sld [smem:$0x3FB0]  }
0x31: {  	[smem:$0x3FB9] =	sst s10  }
0x32: {  	s10 =	sld [smem:$0x3FB7];
	_ =	sdelay $0x3  }
0x33: {  	p0 =	seq.s32 s10, $0x1;
	s10 =	sld [smem:$0x3FB9];
	_ =	sdelay $0x3  }
0x34: {  	[smem:$0x3FB9] =	sst s10  }
0x35: {  	s10 =	sld [smem:$0x3FB8];
	_ =	sdelay $0x3  }
0x36: {  	p1 =	seq.s32 s10, $0x1;
	s10 =	sld [smem:$0x3FB9];
	_ =	sdelay $0x3  }
0x37: {  	[smem:$0x3FB9] =	sst s10  }
0x38: {  	s10 =	sld [smem:$0x3FBA]  }
0x39: {  	_ = 	snop;
	(pc) =	sbr.ind lr, $3  }
0x3a: {  	_ = 	snop  }
0x3b: {  	_ = 	snop  }
0x3c: {  	p2 =	seq.s32 s10, $0x1;
	s10 =	sld [smem:$0x3FB9]  }
0x3d: {  	_ =	shalt  }
0x3e: {  	_ =	shalt  }
0x3f: {  	_ =	shalt  }
0x40: {  	_ =	shalt  }
0x41: {  	_ =	shalt  }
0x42: {  	_ =	shalt  }
0x43: {  	_ =	shalt  }
0x44: {  	_ =	shalt  }
0x45: {  	_ =	shalt  }
0x46: {  	_ =	shalt  }
0x47: {  	_ =	shalt  }
0x48: {  	_ =	shalt  }
0x49: {  	_ =	shalt  }
0x4a: {  	_ =	shalt  }
0x4b: {  	_ =	shalt  }
0x4c: {  	_ =	shalt  }
0x4d: {  	_ =	shalt  }
0x4e: {  	_ =	shalt  }
0x4f: {  	_ =	shalt  }
0x50: {  	_ =	shalt  }
0x51: {  	_ =	shalt  }
0x52: {  	_ =	shalt  }
0x53: {  	_ =	shalt  }
0x54: {  	_ =	shalt  }
0x55: {  	_ =	shalt  }
0x56: {  	_ =	shalt  }
0x57: {  	_ =	shalt  }
0x58: {  	_ =	shalt  }
0x59: {  	_ =	shalt  }
0x5a: {  	_ =	shalt  }
0x5b: {  	_ =	shalt  }
0x5c: {  	_ =	shalt  }
0x5d: {  	_ =	shalt  }
0x5e: {  	_ =	shalt  }
0x5f: {  	_ =	shalt  }
0x60: {  	_ =	shalt  }
0x61: {  	_ =	shalt  }
0x62: {  	_ =	shalt  }
0x63: {  	_ =	shalt  }
0x64: {  	_ =	shalt  }
0x65: {  	_ =	shalt  }
0x66: {  	_ =	shalt  }
0x67: {  	_ =	shalt  }
0x68: {  	_ =	shalt  }
0x69: {  	_ =	shalt  }
0x6a: {  	_ =	shalt  }
0x6b: {  	_ =	shalt  }
0x6c: {  	_ =	shalt  }
0x6d: {  	_ =	shalt  }
0x6e: {  	_ =	shalt  }
0x6f: {  	_ =	shalt  }
0x70: {  	_ =	shalt  }
0x71: {  	_ =	shalt  }
0x72: {  	_ =	shalt  }
0x73: {  	_ =	shalt  }
0x74: {  	_ =	shalt  }
0x75: {  	_ =	shalt  }
0x76: {  	_ =	shalt  }
0x77: {  	_ =	shalt  }
0x78: {  	_ =	shalt  }
0x79: {  	_ =	shalt  }
0x7a: {  	_ =	shalt  }
0x7b: {  	_ =	shalt  }
0x7c: {  	_ =	shalt  }
0x7d: {  	_ =	shalt  }
0x7e: {  	_ =	shalt  }
0x7f: {  	_ =	shalt  }
0x80: {  	_ =	shalt  }
0x81: {  	_ =	shalt  }
0x82: {  	_ =	shalt  }
0x83: {  	_ =	shalt  }
0x84: {  	_ =	shalt  }
0x85: {  	_ =	shalt  }
0x86: {  	_ =	shalt  }
0x87: {  	_ =	shalt  }
.Lfunc_end0:
.L_simem_size_0:
called_computation_lowered:
.L_overlay_start_0:
0x88: {  	s2 =	sld [smem:$0x3FD9]  }
0x89: {  	s3 =	sld [smem:$0x3FFE];
	_ =	sdelay $0x1  }
0x8a: {  	s1 =	srdreg.scid  }
0x8b: {  	s0 =	sand.u32 $0x1, s1  }
0x8c: {  	s17 =	sshll.u32 s0, $0xA;
	s2 =	sadd.s32 s3, s2  }
0x8d: {  	s2 =	sadd.s32 s2, s17  }
0x8e: {  	[smem:$0x3FC5] =	sst s2  }
0x8f: {  	_ = 	snop  }
0x90: {  	s2 =	sld [smem:$0x3FC9]  }
0x91: {  	s18 =	sld [smem:$0x3FC8]  }
0x92: {  	s4 =	sld [smem:$0x3FC7];
	(tm) =	ssettm $0x1  }
0x93: {  	s5 =	sld [smem:$0x3FFB];
	_ =	sdelay $0x3  }
0x94: {  	_ =	strace s5  }
0x95: {  	s5 =	sld [smem:$0x3FFC];
	_ =	sdelay $0x3  }
0x96: {  	_ =	strace s5  }
0x97: {  	s5 =	sld [smem:$0x3FFD];
	_ =	sdelay $0x3  }
0x98: {  	_ =	strace s5  }
0x99: {  	_ =	strace $0x8FFFFFFF  }
0x9a: {  	s19 =	sld [smem:$0x3FDB];
	_ =	sdelay $0x1  }
0x9b: {  	s6 =	simm.s32 $_scs_section_size  }
0x9c: {  	s7 =	simm.s32 $_size__tile_overlayer_lowered;
	s8 =	simm.s32 $_tile_overlayer_lowered  }
0x9d: {  	s22 =	simm.s32 $0x1BFF;
	s21 =	sshll.u32 s8, $0x1;
	s5 =	sadd.s32 s6, s19  }
0x9e: {  	s9 =	simm.s32 $0x0;
	s20 =	sshll.u32 s7, $0x1;
	s7 =	sadd.s32 s21, s5  }
0x9f: {  	[timem:s9], [sflag:s22] =	dma.local [hbm:s7], s20  }
0xa0: {  	_ =	swait.ge [sflag:s22], s20  }
0xa1: {  	s6 =	ssub.s32 $0x0, s20;
	[sflag:s22] =	ssyncset.done $0x0  }
0xa2: {  	[sflag:s22] =	ssyncadd.s32 s6;
	_ =	sdelay $0x1  }
0xa3: {  	s23 =	simm.s32 $0x1B8B  }
0xa4: {  	_ =	swait.ge [sflag:s23], $0x1  }
0xa5: {  	[sflag:s23] =	ssyncset.done $0x0  }
0xa6: {  	s25 =	simm.s32 $0x1B8E;
	s24 =	sld [smem:$0x3FFE];
	[sflag:s23] =	ssyncadd.s32 $0xFFFFFFFF  }
0xa7: {  	s26 =	simm.s32 $execute0_lowered;
	[smem:$0x3FD2] =	sst s25  }
0xa8: {  	s7 =	sshll.u32 s26, $0x1;
	_ =	strace $0x80000046;
	[dreg:$0x1] =	wrdreg $0xFFFFFFFF  }
0xa9: {  	s28 =	simm.s32 $_size_execute0_lowered;
	s5 =	sadd.s32 s5, s7;
	[dreg:$0x0] =	wrdreg $0x0  }
0xaa: {  	s7 =	sshll.u32 s28, $0x1;
	[dreg:$0x2] =	wrdreg s5  }
0xab: {  	[dreg:$0x3] =	wrdreg s7  }
0xac: {  	[dreg:$0x4] =	wrdreg $0xC0  }
0xad: {  	_ =	task [dreg:s9], $0x5FFFF  }
0xae: {  	[dreg:$0x1] =	wrdreg $0xFFFFFFFF  }
0xaf: {  	[dreg:$0x0] =	wrdreg $0x60  }
0xb0: {  	[dreg:$0x2] =	wrdreg s2  }
0xb1: {  	[dreg:$0x3] =	wrdreg s18  }
0xb2: {  	[dreg:$0x4] =	wrdreg s4  }
0xb3: {  	[dreg:$0x5] =	wrdreg s24  }
0xb4: {  	[dreg:$0x6] =	wrdreg $0x9  }
0xb5: {  	_ =	task.clear_ibuf [dreg:s9], $0x7FFFF;
	_ =	strace $0x90000046  }
0xb6: {  	s29 =	simm.s32 $0x9;
	_ =	strace $0x80000048  }
0xb7: {  	_ =	swait.ge [sflag:s29], $0x1  }
0xb8: {  	[sflag:s29] =	ssyncadd.s32 $0xFFFFFFFF  }
0xb9: {  	_ =	strace $0x90000048  }
0xba: {  	_ =	sfence  }
0xbb: {  	s30 =	sld [smem:$0x0];
	_ =	sdelay $0x2  }
0xbc: {  	s31 =	sshll.u32 s1, $0xD;
	s1 =	sshrl.u32 s1, $0x2  }
0xbd: {  	s3 =	sand.u32 $0x4000, s31;
	s1 =	sadd.s32 s1, s30  }
0xbe: {  	s0 =	sor.u32 s3, s0;
	s1 =	sshll.u32 s1, $0x11  }
0xbf: {  	s0 =	sor.u32 s1, s0  }
0xc0: {  	s0 =	sadd.s32 $0x8F2B, s0  }
0xc1: {  	[sflag:s0] =	ssyncadd.remote.s32 $0x1  }
0xc2: {  	_ =	sfence.sel $0xFFFF  }
0xc3: {  	[dreg:$0x0] =	wrdreg $0xFFFFFFFF;
	(pc) =	sbr.abs _section_cstart, $3  }
0xc4: {  	[dreg:$0x1] =	wrdreg $0xFFFFFFFF  }
0xc5: {  	_ =	task.clear_ibuf [dreg:s9], $0x2FFFF;
	_ =	strace $0x9FFFFFFF  }
0xc6: {  	(tm) =	ssettm $0x7FFFFFFF  }
0xc7: {  	_ =	shalt  }
tec
execute0_lowered:
.L_overlay_start_1:
0x0: {  	(tag) =	ssettag $0x1  }
0x1: {  	s6 =	rddreg [dreg:$0x0]  }
0x2: {  	s1 =	rddreg [dreg:$0x1]  }
0x3: {  	s3 =	rddreg [dreg:$0x2];
	s2 =	srdreg.scid  }
0x4: {  	s0 =	stileid.u32;
	s5 =	rddreg [dreg:$0x3];
	s4 =	simm.s32 $0x0  }
0x5: {  	s11 =	simm.s32 $0x1;
	s12 =	simm.s32 $0x8800;
	s13 =	simm.s32 $0x0  }
0x6: {  	s7 =	sand.u32 $0x1, s2;
	s8 =	sshll.u32 s0, $0x1;
	s2 =	rddreg [dreg:$0x4]  }
0x7: {  	[smem:$0x7FF] =	sst s4;
	s8 =	sor.u32 s7, s8;
	s7 =	ssub.s32 $0x2, s7  }
0x8: {  	s9 =	smul.u32 $0x1100, s8;
	s10 =	sshrl.u32 s7, $0x1;
	s31 =	sshll.u32 s8, $0xC  }
0x9: {  	_ =	strace $0x80000047;
	s10 =	ssub.s32 s7, s10;
	s6 =	sadd.s32 s6, s31  }
0xa: {  	s9 =	sadd.s32 s9, s5;
	s5 =	sshll.u32 s8, $0x15;
	s8 =	smax.u32 s10, $0x1  }
0xb: {  	s10 =	simm.s32 $0x2;
	s7 =	sadd.s32 $0x600, s9;
	s9 =	simm.s32 $0x10800  }
.LBB2_1:
0xc: {  	[tilespmem:s9], [sflag:$0x2] =	stream.linear.gather [hbm4b:s1+s4], $0x1, $0x38;
	[tilespmem:$0x10880] =	vst v63  }
0xd: {  	_ =	swait.ge [sflag:s10], $0x1  }
0xe: {  	[sflag:s10] =	ssyncset.done $0x0  }
0xf: {  	[sflag:s10] =	ssyncadd.s32 $0xFFFFFFFF  }
0x10: {  	v0 =	vld [tilespmem:$0x10800];
	_ =	sdelay $0x4  }
0x11: {  	(v2sf) =	vpush v0, $0x0;
	_ =	sdelay $0xe  }
0x12: {  	s14 =	spop (v2sf)  }
0x13: {  	s15 =	sand.u32 $0x7, s14  }
0x14: {  	s16 =	sshra.s32 s14, $0x1F;
	p0 =	slt.s32 s14, $0x1;
	p1 =	sne.s32 s15, $0x0  }
0x15: {  	s29 =	sshrl.u32 s16, $0x1D;
	p0 =	por !p0, !p1  }
0x16: {  	s16 =	simm.s32 $0x1;
	s15 =	sadd.s32 s29, s14;
	p0 =	por !p0, !p0  }
0x17: {  	s15 =	sshra.s32 s15, $0x3;
	s16 =	simm.s32 @!p0 $0x0  }
0x18: {  	s16 =	ssub.s32 s15, s16  }
0x19: {  	s16 =	sshll.u32 s16, $0xB  }
0x1a: {  	s16 =	sadd.s32 s5, s16  }
0x1b: {  	s16 =	sshrl.u32 s16, $0x3  }
0x1c: {  	s16 =	sadd.s32 s3, s16  }
0x1d: {  	[tilespmem:s4], [sflag:$0x1] =	stream.linear.gather [hbm4b:s16+s4], $0x8800, $0x38;
	[tilespmem:$0x10880] =	vst v63  }
0x1e: {  	_ = 	snop  }
0x1f: {  	[tilespmem:s12], [sflag:$0x1] =	stream.linear.gather [hbm4b:s6+s4], $0x8000, $0x38;
	[tilespmem:$0x10880] =	vst v63  }
0x20: {  	_ =	swait.ge [sflag:s11], $0x8800  }
0x21: {  	s30 =	sand.u32 $0x7800, s4;
	s19 =	sand.u32 $0x380, s4;
	[sflag:s11] =	ssyncset.done $0x0  }
0x22: {  	s19 =	sor.u32 s19, s30;
	s17 =	sshll.u32 s14, $0x7;
	[sflag:s11] =	ssyncadd.s32 $0xFFFF7800  }
0x23: {  	s14 =	sshll.u32 s14, $0x8;
	s18 =	sshll.u32 s15, $0xA;
	_ =	swait.ge [sflag:s11], $0x8000  }
0x24: {  	s17 =	ssub.s32 s17, s18;
	s16 =	simm.s32 $0xFFFFFFFF;
	[sflag:s11] =	ssyncset.done $0x0  }
0x25: {  	s15 =	sshll.u32 s15, $0xB;
	s16 =	simm.s32 @!p0 $0x0;
	[sflag:s11] =	ssyncadd.s32 $0xFFFF8000  }
0x26: {  	s15 =	ssub.s32 s14, s15;
	s31 =	sshll.u32 s16, $0xA;
	s16 =	sshll.u32 s16, $0xB;
	v0 =	vld [tilespmem:s19+$0x8800]  }
0x27: {  	s14 =	ssub.s32 s17, s31;
	s15 =	ssub.s32 s15, s16  }
0x28: {  	s16 =	sadd.s32 $0x0, s15;
	s17 =	sadd.s32 $0x0, s14  }
0x29: {  	s16 =	sand.u32 $0xFFFFF800, s16;
	s17 =	sand.u32 $0x380, s17  }
0x2a: {  	s16 =	sor.u32 s17, s16  }
0x2b: {  	[tilespmem:s16+$0x0] =	vst v0  }
0x2c: {  	v0 =	vld [tilespmem:s19+$0x8810];
	_ =	sdelay $0x4  }
0x2d: {  	[tilespmem:s16+$0x10] =	vst v0  }
0x2e: {  	v0 =	vld [tilespmem:s19+$0x8820];
	_ =	sdelay $0x4  }
0x2f: {  	[tilespmem:s16+$0x20] =	vst v0  }
0x30: {  	v0 =	vld [tilespmem:s19+$0x8830];
	_ =	sdelay $0x4  }
0x31: {  	[tilespmem:s16+$0x30] =	vst v0  }
0x32: {  	v0 =	vld [tilespmem:s19+$0x8840];
	_ =	sdelay $0x4  }
0x33: {  	[tilespmem:s16+$0x40] =	vst v0  }
0x34: {  	v0 =	vld [tilespmem:s19+$0x8850];
	_ =	sdelay $0x4  }
0x35: {  	[tilespmem:s16+$0x50] =	vst v0  }
0x36: {  	v0 =	vld [tilespmem:s19+$0x8860];
	_ =	sdelay $0x4  }
0x37: {  	[tilespmem:s16+$0x60] =	vst v0  }
0x38: {  	v0 =	vld [tilespmem:s19+$0x8870];
	_ =	sdelay $0x4  }
0x39: {  	[tilespmem:s16+$0x70] =	vst v0  }
0x3a: {  	v0 =	vld [tilespmem:s19+$0x8C00];
	_ =	sdelay $0x4  }
0x3b: {  	[tilespmem:s16+$0x400] =	vst v0  }
0x3c: {  	v0 =	vld [tilespmem:s19+$0x8C10];
	_ =	sdelay $0x4  }
0x3d: {  	[tilespmem:s16+$0x410] =	vst v0  }
0x3e: {  	v0 =	vld [tilespmem:s19+$0x8C20];
	_ =	sdelay $0x4  }
0x3f: {  	[tilespmem:s16+$0x420] =	vst v0  }
0x40: {  	v0 =	vld [tilespmem:s19+$0x8C30];
	_ =	sdelay $0x4  }
0x41: {  	[tilespmem:s16+$0x430] =	vst v0  }
0x42: {  	v0 =	vld [tilespmem:s19+$0x8C40];
	_ =	sdelay $0x4  }
0x43: {  	[tilespmem:s16+$0x440] =	vst v0  }
0x44: {  	v0 =	vld [tilespmem:s19+$0x8C50];
	_ =	sdelay $0x4  }
0x45: {  	[tilespmem:s16+$0x450] =	vst v0  }
0x46: {  	v0 =	vld [tilespmem:s19+$0x8C60];
	_ =	sdelay $0x4  }
0x47: {  	[tilespmem:s16+$0x460] =	vst v0  }
0x48: {  	v0 =	vld [tilespmem:s19+$0x8C70];
	_ =	sdelay $0x2  }
0x49: {  	s18 =	simm.s32 $0x100;
	s17 =	simm.s32 $0x80  }
0x4a: {  	s20 =	sand.u32 $0x7800, s18;
	s21 =	sand.u32 $0x380, s17;
	s19 =	simm.s32 $0x200  }
.LBB2_2:
0x4b: {  	p0 =	sne.s32 s19, $0x7F00;
	s20 =	sor.u32 s21, s20;
	[tilespmem:s16+$0x470] =	vst v0  }
0x4c: {  	v0 =	vld [tilespmem:s20+$0x8800];
	_ =	sdelay $0x1  }
0x4d: {  	s16 =	sadd.s32 s18, s15;
	s21 =	sadd.s32 s17, s14;
	s18 =	smov.u32 s19  }
0x4e: {  	s16 =	sand.u32 $0xFFFFF800, s16;
	s21 =	sand.u32 $0x380, s21  }
0x4f: {  	s16 =	sor.u32 s21, s16  }
0x50: {  	[tilespmem:s16+$0x0] =	vst v0  }
0x51: {  	v0 =	vld [tilespmem:s20+$0x8810];
	_ =	sdelay $0x4  }
0x52: {  	[tilespmem:s16+$0x10] =	vst v0  }
0x53: {  	v0 =	vld [tilespmem:s20+$0x8820];
	_ =	sdelay $0x4  }
0x54: {  	[tilespmem:s16+$0x20] =	vst v0  }
0x55: {  	v0 =	vld [tilespmem:s20+$0x8830];
	_ =	sdelay $0x4  }
0x56: {  	[tilespmem:s16+$0x30] =	vst v0  }
0x57: {  	v0 =	vld [tilespmem:s20+$0x8840];
	_ =	sdelay $0x4  }
0x58: {  	[tilespmem:s16+$0x40] =	vst v0  }
0x59: {  	v0 =	vld [tilespmem:s20+$0x8850];
	_ =	sdelay $0x4  }
0x5a: {  	[tilespmem:s16+$0x50] =	vst v0  }
0x5b: {  	v0 =	vld [tilespmem:s20+$0x8860];
	_ =	sdelay $0x4  }
0x5c: {  	[tilespmem:s16+$0x60] =	vst v0  }
0x5d: {  	v0 =	vld [tilespmem:s20+$0x8870];
	_ =	sdelay $0x4  }
0x5e: {  	[tilespmem:s16+$0x70] =	vst v0  }
0x5f: {  	v0 =	vld [tilespmem:s20+$0x8C00];
	_ =	sdelay $0x4  }
0x60: {  	[tilespmem:s16+$0x400] =	vst v0  }
0x61: {  	v0 =	vld [tilespmem:s20+$0x8C10];
	_ =	sdelay $0x4  }
0x62: {  	[tilespmem:s16+$0x410] =	vst v0  }
0x63: {  	v0 =	vld [tilespmem:s20+$0x8C20];
	_ =	sdelay $0x4  }
0x64: {  	[tilespmem:s16+$0x420] =	vst v0  }
0x65: {  	v0 =	vld [tilespmem:s20+$0x8C30];
	_ =	sdelay $0x4  }
0x66: {  	[tilespmem:s16+$0x430] =	vst v0  }
0x67: {  	v0 =	vld [tilespmem:s20+$0x8C40];
	_ =	sdelay $0x4  }
0x68: {  	[tilespmem:s16+$0x440] =	vst v0  }
0x69: {  	v0 =	vld [tilespmem:s20+$0x8C50];
	_ =	sdelay $0x4  }
0x6a: {  	[tilespmem:s16+$0x450] =	vst v0  }
0x6b: {  	v0 =	vld [tilespmem:s20+$0x8C60];
	_ =	sdelay $0x4  }
0x6c: {  	[tilespmem:s16+$0x460] =	vst v0  }
.Ltmp0:
0x6d: {  	v0 =	vld [tilespmem:s20+$0x8C70];
	(pc) =	sbr.rel @p0 .LBB2_2-.Ltmp0, $3  }
0x6e: {  	_ =	sdelay $0x1  }
0x6f: {  	s17 =	sadd.s32 $0x80, s17  }
0x70: {  	s19 =	sadd.s32 $0x100, s19;
	s21 =	sand.u32 $0x380, s17;
	s20 =	sand.u32 $0x7800, s18  }
0x71: {  	s19 =	sor.u32 s21, s20;
	[tilespmem:s16+$0x470] =	vst v0  }
0x72: {  	v0 =	vld [tilespmem:s19+$0x8800];
	_ =	sdelay $0x1  }
0x73: {  	s15 =	sadd.s32 s18, s15;
	s14 =	sadd.s32 s17, s14  }
0x74: {  	s15 =	sand.u32 $0xFFFFF800, s15;
	s14 =	sand.u32 $0x380, s14  }
0x75: {  	s14 =	sor.u32 s14, s15  }
0x76: {  	[tilespmem:s14+$0x0] =	vst v0  }
0x77: {  	v0 =	vld [tilespmem:s19+$0x8810];
	_ =	sdelay $0x4  }
0x78: {  	[tilespmem:s14+$0x10] =	vst v0  }
0x79: {  	v0 =	vld [tilespmem:s19+$0x8820];
	_ =	sdelay $0x4  }
0x7a: {  	[tilespmem:s14+$0x20] =	vst v0  }
0x7b: {  	v0 =	vld [tilespmem:s19+$0x8830];
	_ =	sdelay $0x4  }
0x7c: {  	[tilespmem:s14+$0x30] =	vst v0  }
0x7d: {  	v0 =	vld [tilespmem:s19+$0x8840];
	_ =	sdelay $0x4  }
0x7e: {  	[tilespmem:s14+$0x40] =	vst v0  }
0x7f: {  	v0 =	vld [tilespmem:s19+$0x8850];
	_ =	sdelay $0x4  }
0x80: {  	[tilespmem:s14+$0x50] =	vst v0  }
0x81: {  	v0 =	vld [tilespmem:s19+$0x8860];
	_ =	sdelay $0x4  }
0x82: {  	[tilespmem:s14+$0x60] =	vst v0  }
0x83: {  	v0 =	vld [tilespmem:s19+$0x8870];
	_ =	sdelay $0x4  }
0x84: {  	[tilespmem:s14+$0x70] =	vst v0  }
0x85: {  	v0 =	vld [tilespmem:s19+$0x8C00];
	_ =	sdelay $0x4  }
0x86: {  	[tilespmem:s14+$0x400] =	vst v0  }
0x87: {  	v0 =	vld [tilespmem:s19+$0x8C10];
	_ =	sdelay $0x4  }
0x88: {  	[tilespmem:s14+$0x410] =	vst v0  }
0x89: {  	v0 =	vld [tilespmem:s19+$0x8C20];
	_ =	sdelay $0x4  }
0x8a: {  	[tilespmem:s14+$0x420] =	vst v0  }
0x8b: {  	v0 =	vld [tilespmem:s19+$0x8C30];
	_ =	sdelay $0x4  }
0x8c: {  	[tilespmem:s14+$0x430] =	vst v0  }
0x8d: {  	v0 =	vld [tilespmem:s19+$0x8C40];
	_ =	sdelay $0x4  }
0x8e: {  	[tilespmem:s14+$0x440] =	vst v0  }
0x8f: {  	v0 =	vld [tilespmem:s19+$0x8C50];
	_ =	sdelay $0x4  }
0x90: {  	[tilespmem:s14+$0x450] =	vst v0  }
0x91: {  	v0 =	vld [tilespmem:s19+$0x8C60];
	_ =	sdelay $0x4  }
0x92: {  	[tilespmem:s14+$0x460] =	vst v0  }
0x93: {  	v0 =	vld [tilespmem:s19+$0x8C70];
	_ =	sdelay $0x2  }
0x94: {  	s13 =	sadd.s32 $0x1, s13  }
0x95: {  	p0 =	sne.s32 s13, s8  }
.Ltmp1:
0x96: {  	[tilespmem:s14+$0x470] =	vst v0;
	(pc) =	sbr.rel @p0 .LBB2_1-.Ltmp1, $4  }
0x97: {  	[hbm4b:s7+s4] =	stream.linear.scatter [tilespmem:s4], [sflag:$0x2], $0x8800, $0x38;
	[tilespmem:$0x10880] =	vst v63  }
0x98: {  	_ =	swait.ge [sflag:s10], $0x8800  }
0x99: {  	[sflag:s10] =	ssyncset.done $0x0  }
0x9a: {  	[sflag:s10] =	ssyncadd.s32 $0xFFFF7800  }
0x9b: {  	_ =	sfence.sel $0x180000  }
0x9c: {  	[bflag:$0x0] =	sbarrier.arrive $0xFFFF  }
0x9d: {  	p0 =	sne.s32 s0, $0x0;
	_ =	strace $0x90000047  }
0x9e: {  	s0 =	sadd.s32 @!p0 $0x100000, s2;
	[bflag:$0x2] =	sbarrier.arrive $0xFFFF  }
0x9f: {  	[sflag:s0] =	ssyncadd.tile.s32 @!p0 $0x1;
	_ =	shalt  }
.Lfunc_end2:
_tile_overlayer_lowered:
.L_overlay_start_2:
0xa0: {  	(tag) =	ssettag $0x2  }
0xa1: {  	s0 =	rddreg [dreg:$0x0];
	s2 =	stileid.u32  }
0xa2: {  	s1 =	rddreg [dreg:$0x1];
	p0 =	sne.s32 s2, $0x0  }
0xa3: {  	s3 =	rddreg [dreg:$0x2];
	[bflag:$0x3] =	sbarrier.arrive $0xFFFF;
	s2 =	simm.s32 @!p0 $0x1C02  }
0xa4: {  	[timem:s3], [sflag:s2] =	dma.local @!p0 [hbm:s0], s1  }
0xa5: {  	s0 =	simm.s32 @!p0 $0x2  }
0xa6: {  	_ =	swait.ge @!p0 [sflag:s0], s1  }
0xa7: {  	s1 =	ssub.s32 @!p0 $0x0, s1;
	[sflag:s0] =	ssyncset.done @!p0 $0x0  }
0xa8: {  	[sflag:s0] =	ssyncadd.s32 @!p0 s1  }
0xa9: {  	[bflag:$0x3] =	sbarrier.arrive $0xFFFF  }
0xaa: {  	_ =	shalt  }

</sc_bundles>
